<compile_context>
chip_gen: v7x
topology: tpu7x:2x2x1
jax: 0.10.2.dev20260603
libtpu: 0.0.44.dev20260713+nightly
codegen_flags: <defaults>
</compile_context>

<pallas_src>
import functools

import jax
import jax.numpy as jnp
from jax import lax
from jax.experimental import pallas as pl
from jax.experimental.pallas import tpu as pltpu
from jax.experimental.pallas import tpu_sc as plsc

SIZE = 1000000
DIM = 32
BATCH = 16384

GROUP = 128 // DIM
GSIZE = SIZE // GROUP
GBATCH = BATCH // GROUP

COPY_ROWS = 2000
NUM_BLOCKS = GSIZE // COPY_ROWS

NUM_CORES = 2
NUM_SUBCORES = 16
NW = NUM_CORES * NUM_SUBCORES
GROUPS_PER_W = GBATCH // NW


def _tc_copy_normalize(z_ref, bank_ref, zn_ref, out_ref):
  i = pl.program_id(0)
  out_ref[...] = bank_ref[...]

  @pl.when(i == 0)
  def _():
    z = z_ref[...]
    norm = jnp.sqrt(jnp.sum(z * z, axis=1, keepdims=True))
    zn_ref[...] = z / jnp.clip(norm, 1e-12)


def _tc_stage(z, bank_g):
  zn, out_g = pl.pallas_call(
      _tc_copy_normalize,
      grid=(NUM_BLOCKS,),
      in_specs=[
          pl.BlockSpec((BATCH, DIM), lambda i: (0, 0)),
          pl.BlockSpec((COPY_ROWS, 128), lambda i: (i, 0)),
      ],
      out_specs=[
          pl.BlockSpec((BATCH, DIM), lambda i: (0, 0)),
          pl.BlockSpec((COPY_ROWS, 128), lambda i: (i, 0)),
      ],
      out_shape=[
          jax.ShapeDtypeStruct((BATCH, DIM), jnp.float32),
          jax.ShapeDtypeStruct((GSIZE, 128), jnp.float32),
      ],
      name="bank_copy_normalize",
  )(z, bank_g)
  return zn, out_g


def _sc_scatter_body(zn_hbm, idx_hbm, bank_ref, rows_v, idx_v, sem):
  wid = lax.axis_index("s") * NUM_CORES + lax.axis_index("c")
  pltpu.sync_copy(zn_hbm.at[pl.ds(wid * GROUPS_PER_W, GROUPS_PER_W)], rows_v)
  pltpu.sync_copy(idx_hbm.at[pl.ds(wid, 1)], idx_v)
  pltpu.async_copy(rows_v, bank_ref.at[idx_v.at[0]], sem).wait()


@functools.cache
def _sc_scatter():
  mesh = plsc.VectorSubcoreMesh(
      core_axis_name="c", subcore_axis_name="s",
      num_cores=NUM_CORES, num_subcores=NUM_SUBCORES)
  return pl.kernel(
      _sc_scatter_body,
      out_type=(),
      mesh=mesh,
      scratch_types=[
          pltpu.VMEM((GROUPS_PER_W, 128), jnp.float32),
          pltpu.VMEM((1, GROUPS_PER_W), jnp.int32),
          pltpu.SemaphoreType.DMA,
      ],
      name="bank_scatter_sc",
  )


def kernel(z, bank, ptr):
  bank_g = bank.reshape(GSIZE, 128)
  zn, out_g = _tc_stage(z, bank_g)
  zn_g = zn.reshape(GBATCH, 128)
  p = ptr[0]
  gidx = (p // GROUP + jnp.arange(GBATCH, dtype=jnp.int32)) % GSIZE
  idx2d = gidx.reshape(NW, GROUPS_PER_W)
  ref = jax.new_ref(out_g)
  _sc_scatter()(zn_g, idx2d, ref)
  new_bank = ref[...].reshape(SIZE, DIM)
  new_ptr = (p + BATCH) % SIZE
  wrapped = jnp.logical_or(new_ptr < p, p + BATCH >= SIZE)
  return new_bank, jnp.array([new_ptr], dtype=jnp.int32), jnp.reshape(wrapped, (1,))

# --- scband reference (transcript-rebuilt; emitter-appended) ---
"""Pipeline reference for scband-memory-bank-5351529251042 (READ-ONLY COPY).

The authoritative reference and input builder live on the scoring server;
editing this copy changes nothing except your own understanding.
"""

import jax, jax.numpy as jnp
import numpy as np

SIZE = 1000000
DIM = 32
BATCH = 16384

def setup_inputs(seed: int = 0) -> dict:
    key = jax.random.key(seed)
    k1, k2 = jax.random.split(key)
    z = jax.random.normal(k1, (BATCH, DIM), dtype=jnp.float32)
    bank = jax.random.normal(k2, (SIZE, DIM), dtype=jnp.float32)
    # buffer init: F.normalize(torch.randn(size, dim), dim=1)
    bank = bank / jnp.clip(jnp.linalg.norm(bank, axis=1, keepdims=True), 1e-12)
    ptr = jnp.zeros((1,), dtype=jnp.int32)
    return {"z": z, "bank": bank, "ptr": ptr}

def reference(z, bank, ptr):
    # Faithful translation of MemoryBank.enqueue (circular scatter-overwrite).
    size = bank.shape[0]
    batch_size = z.shape[0]
    # z = F.normalize(z.detach(), dim=1)
    zn = jax.lax.stop_gradient(z)
    zn = zn / jnp.clip(jnp.linalg.norm(zn, axis=1, keepdims=True), 1e-12)
    # circular write: handles both the contiguous and wrap-around branches
    # of the torch code via modular row indices (scatter-overwrite).
    idx = (ptr[0].astype(jnp.int32) + jnp.arange(batch_size, dtype=jnp.int32)) % size
    new_bank = bank.at[idx].set(zn)
    new_ptr = (ptr[0] + batch_size) % size
    wrapped = jnp.logical_or(new_ptr < ptr[0], ptr[0] + batch_size >= size)
    return new_bank, jnp.array([new_ptr], dtype=jnp.int32), jnp.reshape(wrapped, (1,))

if __name__ == "__main__":
    import jax
    _d = setup_inputs()
    print(jax.jit(kernel)(*tuple(_d.values())))

</pallas_src>

<mosaic_0001>
#map = affine_map<(d0, d1) -> (0, 0)>
module attributes {stable_mosaic.version = 14 : i64} {
  func.func @new_body(%arg0: i32, %arg1: i32, %arg2: memref<4096x128xf32, #tpu.memory_space<hbm>>, %arg3: memref<32x128xi32, #tpu.memory_space<hbm>>, %arg4: memref<250000x128xf32, #tpu.memory_space<hbm>>, %arg5: memref<250000x128xf32, #tpu.memory_space<hbm>>, %arg6: memref<128x128xf32, #tpu.memory_space<vmem>>, %arg7: memref<1x128xi32, #tpu.memory_space<vmem>>, %arg8: memref<!tpu.dma_semaphore, #tpu.memory_space<semaphore_mem>>) attributes {dimension_semantics = [#tpu.dimension_semantics<core_parallel>, #tpu.dimension_semantics<subcore_parallel>], iteration_bounds = array<i64: 2, 16>, scalar_prefetch = 0 : i64, scratch_operands = 3 : i64, tpu.core_type = #tpu.core_type<sc_vector_subcore>, window_params = [{transform_indices = #map}, {transform_indices = #map}, {transform_indices = #map}, {transform_indices = #map}]} {
    %mul3A = arith.constant 2 : i32
    %mul3A_0 = arith.muli %arg1, %mul3A : i32
    %add3A = arith.addi %mul3A_0, %arg0 : i32
    %mul3A_1 = arith.constant 128 : i32
    %mul3A_2 = arith.muli %add3A, %mul3A_1 : i32
    "tpu.region"() ({
      %run_scoped3A = tpu.sem_alloc : memref<!tpu.dma_semaphore, #tpu.memory_space<semaphore_mem>>
      %dma_start3A_15 = arith.constant 0 : i32
      %dma_start3A_16 = tpu.memref_slice %arg2[%mul3A_2, %dma_start3A_15] : memref<4096x128xf32, #tpu.memory_space<hbm>> -> memref<128x128xf32, #tpu.memory_space<hbm>>
      %dma_start3A_17 = arith.constant 0 : i32
      %dma_start3A_18 = tpu.memref_slice %arg2[%mul3A_2, %dma_start3A_17] : memref<4096x128xf32, #tpu.memory_space<hbm>> -> memref<128x128xf32, #tpu.memory_space<hbm>>
      tpu.enqueue_dma source(%dma_start3A_18 : memref<128x128xf32, #tpu.memory_space<hbm>>) target(%arg6 : memref<128x128xf32, #tpu.memory_space<vmem>>) target_semaphore(%run_scoped3A : memref<!tpu.dma_semaphore, #tpu.memory_space<semaphore_mem>>)
      %dma_wait3A_19 = arith.constant 0 : i32
      %dma_wait3A_20 = tpu.memref_slice %arg2[%mul3A_2, %dma_wait3A_19] : memref<4096x128xf32, #tpu.memory_space<hbm>> -> memref<128x128xf32, #tpu.memory_space<hbm>>
      %dma_wait3A_21 = arith.constant 0 : i32
      %dma_wait3A_22 = tpu.memref_slice %arg2[%mul3A_2, %dma_wait3A_21] : memref<4096x128xf32, #tpu.memory_space<hbm>> -> memref<128x128xf32, #tpu.memory_space<hbm>>
      tpu.wait_dma2 semaphore(%run_scoped3A : memref<!tpu.dma_semaphore, #tpu.memory_space<semaphore_mem>>) src(%dma_wait3A_22 : memref<128x128xf32, #tpu.memory_space<hbm>>) dst(%arg6 : memref<128x128xf32, #tpu.memory_space<vmem>>)
      tpu.yield
    }) : () -> ()
    "tpu.region"() ({
      %run_scoped3A = tpu.sem_alloc : memref<!tpu.dma_semaphore, #tpu.memory_space<semaphore_mem>>
      %dma_start3A_15 = arith.constant 0 : i32
      %dma_start3A_16 = tpu.memref_slice %arg3[%add3A, %dma_start3A_15] : memref<32x128xi32, #tpu.memory_space<hbm>> -> memref<1x128xi32, #tpu.memory_space<hbm>>
      %dma_start3A_17 = arith.constant 0 : i32
      %dma_start3A_18 = tpu.memref_slice %arg3[%add3A, %dma_start3A_17] : memref<32x128xi32, #tpu.memory_space<hbm>> -> memref<1x128xi32, #tpu.memory_space<hbm>>
      tpu.enqueue_dma source(%dma_start3A_18 : memref<1x128xi32, #tpu.memory_space<hbm>>) target(%arg7 : memref<1x128xi32, #tpu.memory_space<vmem>>) target_semaphore(%run_scoped3A : memref<!tpu.dma_semaphore, #tpu.memory_space<semaphore_mem>>)
      %dma_wait3A_19 = arith.constant 0 : i32
      %dma_wait3A_20 = tpu.memref_slice %arg3[%add3A, %dma_wait3A_19] : memref<32x128xi32, #tpu.memory_space<hbm>> -> memref<1x128xi32, #tpu.memory_space<hbm>>
      %dma_wait3A_21 = arith.constant 0 : i32
      %dma_wait3A_22 = tpu.memref_slice %arg3[%add3A, %dma_wait3A_21] : memref<32x128xi32, #tpu.memory_space<hbm>> -> memref<1x128xi32, #tpu.memory_space<hbm>>
      tpu.wait_dma2 semaphore(%run_scoped3A : memref<!tpu.dma_semaphore, #tpu.memory_space<semaphore_mem>>) src(%dma_wait3A_22 : memref<1x128xi32, #tpu.memory_space<hbm>>) dst(%arg7 : memref<1x128xi32, #tpu.memory_space<vmem>>)
      tpu.yield
    }) : () -> ()
    %dma_start3A = arith.constant 0 : i32
    %dma_start3A_3 = arith.constant 0 : i32
    %dma_start3A_4 = tpu.memref_slice %arg7[%dma_start3A, %dma_start3A_3] : memref<1x128xi32, #tpu.memory_space<vmem>> -> memref<1x128xi32, #tpu.memory_space<vmem>>
    %dma_start3A_5 = tpu.memref_squeeze %dma_start3A_4 : memref<1x128xi32, #tpu.memory_space<vmem>> -> memref<128xi32, #tpu.memory_space<vmem>>
    %dma_start3A_6 = arith.constant 0 : i32
    %dma_start3A_7 = arith.constant 0 : i32
    %dma_start3A_8 = tpu.memref_slice %arg4[%dma_start3A_6, %dma_start3A_7] : memref<250000x128xf32, #tpu.memory_space<hbm>> -> memref<250000x128xf32, #tpu.memory_space<hbm>>
    tpu.enqueue_indirect_dma source(%arg6 : memref<128x128xf32, #tpu.memory_space<vmem>>) target(%dma_start3A_8 : memref<250000x128xf32, #tpu.memory_space<hbm>>) offsets(%dma_start3A_5 : memref<128xi32, #tpu.memory_space<vmem>>) semaphore(%arg8 : memref<!tpu.dma_semaphore, #tpu.memory_space<semaphore_mem>>)
    %dma_wait3A = arith.constant 0 : i32
    %dma_wait3A_9 = arith.constant 0 : i32
    %dma_wait3A_10 = tpu.memref_slice %arg7[%dma_wait3A, %dma_wait3A_9] : memref<1x128xi32, #tpu.memory_space<vmem>> -> memref<1x128xi32, #tpu.memory_space<vmem>>
    %dma_wait3A_11 = tpu.memref_squeeze %dma_wait3A_10 : memref<1x128xi32, #tpu.memory_space<vmem>> -> memref<128xi32, #tpu.memory_space<vmem>>
    %dma_wait3A_12 = arith.constant 0 : i32
    %dma_wait3A_13 = arith.constant 0 : i32
    %dma_wait3A_14 = tpu.memref_slice %arg4[%dma_wait3A_12, %dma_wait3A_13] : memref<250000x128xf32, #tpu.memory_space<hbm>> -> memref<250000x128xf32, #tpu.memory_space<hbm>>
    tpu.wait_indirect_dma semaphore(%arg8 : memref<!tpu.dma_semaphore, #tpu.memory_space<semaphore_mem>>) src(%arg6 : memref<128x128xf32, #tpu.memory_space<vmem>>) dst(%dma_wait3A_14 : memref<250000x128xf32, #tpu.memory_space<hbm>>)
    return
  }
}

module attributes {stable_mosaic.version = 14 : i64} {
  func.func @bank_copy_normalize(%arg0: i32, %arg1: memref<16384x32xf32, #tpu.memory_space<vmem>>, %arg2: memref<2000x128xf32, #tpu.memory_space<vmem>>, %arg3: memref<16384x32xf32, #tpu.memory_space<vmem>>, %arg4: memref<2000x128xf32, #tpu.memory_space<vmem>>) attributes {dimension_semantics = [#tpu.dimension_semantics<arbitrary>], iteration_bounds = array<i64: 125>, scalar_prefetch = 0 : i64, scratch_operands = 0 : i64, tpu.core_type = #tpu.core_type<tc>, window_params = [{pipeline_mode = #tpu.pipeline_mode<synchronous>, transform_indices = @transform_0, window_bounds = array<i64: 16384, 32>}, {transform_indices = @transform_1, window_bounds = array<i64: 2000, 128>}, {pipeline_mode = #tpu.pipeline_mode<synchronous>, transform_indices = @transform_2, window_bounds = array<i64: 16384, 32>}, {transform_indices = @transform_3, window_bounds = array<i64: 2000, 128>}]} {
    %get3A = arith.constant 0 : index
    %get3A_0 = arith.constant 0 : index
    %get3A_1 = vector.load %arg2[%get3A, %get3A_0] : memref<2000x128xf32, #tpu.memory_space<vmem>>, vector<2000x128xf32>
    %swap3A = arith.constant 0 : index
    %swap3A_2 = arith.constant 0 : index
    %swap3A_3 = vector.load %arg4[%swap3A, %swap3A_2] : memref<2000x128xf32, #tpu.memory_space<vmem>>, vector<2000x128xf32>
    tpu.vector_store %arg4[%swap3A, %swap3A_2], %get3A_1 {strides = array<i32>} : memref<2000x128xf32, #tpu.memory_space<vmem>>, vector<2000x128xf32>,
    %eq3A = arith.constant 0 : i32
    %eq3A_4 = arith.cmpi eq, %arg0, %eq3A : i32
    %convert_element_type3A = arith.extui %eq3A_4 : i1 to i32
    %cond3A = arith.constant 0 : i32
    %cond3A_5 = arith.cmpi ne, %convert_element_type3A, %cond3A : i32
    scf.if %cond3A_5 {
      %get3A_6 = arith.constant 0 : index
      %get3A_7 = arith.constant 0 : index
      %get3A_8 = vector.load %arg1[%get3A_6, %get3A_7] : memref<16384x32xf32, #tpu.memory_space<vmem>>, vector<16384x32xf32>
      %mul3A = arith.mulf %get3A_8, %get3A_8 : vector<16384x32xf32>
      %reduce_sum3A = arith.constant dense<0.000000e+00> : vector<16384xf32>
      %reduce_sum3A_9 = vector.multi_reduction <add>, %mul3A, %reduce_sum3A [1] : vector<16384x32xf32> to vector<16384xf32>
      %broadcast_in_dim3A = vector.shape_cast %reduce_sum3A_9 : vector<16384xf32> to vector<16384x1xf32>
      %sqrt3A = math.sqrt %broadcast_in_dim3A : vector<16384x1xf32>
      %jit3A = arith.constant 9.99999996E-13 : f32
      %max3A = vector.broadcast %jit3A : f32 to vector<16384x1xf32>
      %max3A_10 = arith.maximumf %max3A, %sqrt3A : vector<16384x1xf32>
      %div3A = vector.broadcast %max3A_10 : vector<16384x1xf32> to vector<16384x32xf32>
      %div3A_11 = arith.divf %get3A_8, %div3A : vector<16384x32xf32>
      %swap3A_12 = arith.constant 0 : index
      %swap3A_13 = arith.constant 0 : index
      %swap3A_14 = vector.load %arg3[%swap3A_12, %swap3A_13] : memref<16384x32xf32, #tpu.memory_space<vmem>>, vector<16384x32xf32>
      tpu.vector_store %arg3[%swap3A_12, %swap3A_13], %div3A_11 {strides = array<i32>} : memref<16384x32xf32, #tpu.memory_space<vmem>>, vector<16384x32xf32>,
    } else {
    }
    return
  }
  func.func @transform_0(%arg0: i32) -> (i32, i32) {
    %c0_i32 = arith.constant 0 : i32
    %c0_i32_0 = arith.constant 0 : i32
    %c0_i32_1 = arith.constant 0 : i32
    return %c0_i32, %c0_i32_0 : i32, i32
  }
  func.func @transform_1(%arg0: i32) -> (i32, i32) {
    %c0_i32 = arith.constant 0 : i32
    %c0_i32_0 = arith.constant 0 : i32
    return %arg0, %c0_i32 : i32, i32
  }
  func.func @transform_2(%arg0: i32) -> (i32, i32) {
    %c0_i32 = arith.constant 0 : i32
    %c0_i32_0 = arith.constant 0 : i32
    %c0_i32_1 = arith.constant 0 : i32
    return %c0_i32, %c0_i32_0 : i32, i32
  }
  func.func @transform_3(%arg0: i32) -> (i32, i32) {
    %c0_i32 = arith.constant 0 : i32
    %c0_i32_0 = arith.constant 0 : i32
    return %arg0, %c0_i32 : i32, i32
  }
}

</mosaic_0001>

<sc_bundles>
// kernel: bank_scatter_sc.3.cloned.1.call-start
scs
__scs_entry_jumppad:
0x0: {  	(pc) =	sbr.rel $0x88, $3  }
0x1: {  	(tag) =	ssettag $0x0;
	lr =	simm.s32 $0x1  }
0x2: {  	[smem:$0x3F9E] =	sst lr;
	_ =	strace $0xD0000000  }
0x3: {  	_ = 	snop  }
0x4: {  	_ = 	snop  }
0x5: {  	_ = 	snop  }
0x6: {  	_ = 	snop  }
0x7: {  	_ = 	snop  }
__scs_overlays_trampoline_lowered:
0x8: {  	[smem:$0x3FAD] =	sst s0  }
0x9: {  	[smem:$0x3FAE] =	sst s1  }
0xa: {  	[smem:$0x3FAF] =	sst s2  }
0xb: {  	[smem:$0x3FB0] =	sst s3  }
0xc: {  	[smem:$0x3FB1] =	sst s4  }
0xd: {  	[smem:$0x3FB2] =	sst s5  }
0xe: {  	[smem:$0x3FB3] =	sst s6  }
0xf: {  	[smem:$0x3FB4] =	sst s7  }
0x10: {  	[smem:$0x3FB5] =	sst s8  }
0x11: {  	[smem:$0x3FB6] =	sst s9;
	s0 =	simm.s32 @!p0 $0x0  }
0x12: {  	s1 =	sld [smem:$0x3F9C];
	s0 =	simm.s32 @p0 $0x1  }
0x13: {  	[smem:$0x3FB7] =	sst s0;
	s0 =	simm.s32 @!p1 $0x0  }
0x14: {  	s2 =	sld [smem:$0x3F9B];
	s0 =	simm.s32 @p1 $0x1  }
0x15: {  	[smem:$0x3FB8] =	sst s0;
	s0 =	simm.s32 @!p2 $0x0  }
0x16: {  	s3 =	sld [smem:$0x3FDB];
	s0 =	simm.s32 @p2 $0x1  }
0x17: {  	s4 =	simm.s32 $0x1BF5;
	[smem:$0x3FBA] =	sst s0  }
0x18: {  	s0 =	sld [smem:$0x3F9D];
	_ =	swait.ge [sflag:s4], $0x0  }
0x19: {  	s7 =	sld [smem:$0x3F9E]  }
0x1a: {  	s8 =	sadd.s32 $0xFFFFE003, lr  }
0x1b: {  	s9 =	sadd.s32 $0xFFFFFEF7, lr;
	s5 =	simm.s32 $0xFFFFFFFF;
	p2 =	slt.u32 s8, $0xFFFFF086  }
0x1c: {  	p1 =	slt.u32 s9, $0xF7A;
	s5 =	simm.s32 @!p2 $0x0  }
0x1d: {  	s5 =	simm.s32 @p1 $0x1;
	p0 =	seq.s32 s7, s2  }
0x1e: {  	s7 =	smul.u32 @!p0 $0xF7A, s2;
	p2 =	seq.s32 @!p0 s5, $0x0  }
0x1f: {  	s9 =	smul.u32 $0xF7A, s1;
	s8 =	simm.s32 @!p0 $0x1BF5;
	p2 =	por !p2, p0  }
0x20: {  	[sflag:s8] =	ssyncset.s32 @!p0 $0xFFFFF086;
	s6 =	sadd.s32 @!p0 s3, s7;
	s7 =	simm.s32 @!p0 $0x108  }
0x21: {  	s3 =	sadd.s32 s3, s9;
	s6 =	sadd.s32 @!p0 $0x88, s6;
	s7 =	simm.s32 @p2 $0x1082  }
0x22: {  	[simem:s7], [sflag:s8] =	dma.local @!p0 [hbm:s6], $0xF7A  }
0x23: {  	s9 =	sor.u32 $0xD0000000, s2;
	s6 =	simm.s32 $0x108;
	_ =	swait.ge @!p0 [sflag:s8], $0x0  }
0x24: {  	s3 =	sadd.s32 $0x88, s3;
	s6 =	simm.s32 @!p1 $0x1082;
	[sflag:s4] =	ssyncset.s32 $0xFFFFF086  }
0x25: {  	[simem:s6], [sflag:s4] =	dma.local [hbm:s3], $0xF7A  }
0x26: {  	[smem:$0x3F9E] =	sst s1;
	(tag) =	ssettag s2;
	_ =	strace s9  }
0x27: {  	s1 =	sld [smem:$0x3FAE]  }
0x28: {  	s2 =	sld [smem:$0x3FAF]  }
0x29: {  	s4 =	sld [smem:$0x3FB1]  }
0x2a: {  	p0 =	seq.s32 s5, $0x0;
	s5 =	sld [smem:$0x3FB2]  }
0x2b: {  	s6 =	sld [smem:$0x3FB3]  }
0x2c: {  	s7 =	sld [smem:$0x3FB4]  }
0x2d: {  	s3 =	simm.s32 $0x108;
	s8 =	sld [smem:$0x3FB5]  }
0x2e: {  	s3 =	simm.s32 @!p0 $0x1082;
	s9 =	sld [smem:$0x3FB6]  }
0x2f: {  	lr =	sadd.s32 s0, s3;
	s0 =	sld [smem:$0x3FAD]  }
0x30: {  	s3 =	sld [smem:$0x3FB0]  }
0x31: {  	[smem:$0x3FB9] =	sst s10  }
0x32: {  	s10 =	sld [smem:$0x3FB7];
	_ =	sdelay $0x3  }
0x33: {  	p0 =	seq.s32 s10, $0x1;
	s10 =	sld [smem:$0x3FB9];
	_ =	sdelay $0x3  }
0x34: {  	[smem:$0x3FB9] =	sst s10  }
0x35: {  	s10 =	sld [smem:$0x3FB8];
	_ =	sdelay $0x3  }
0x36: {  	p1 =	seq.s32 s10, $0x1;
	s10 =	sld [smem:$0x3FB9];
	_ =	sdelay $0x3  }
0x37: {  	[smem:$0x3FB9] =	sst s10  }
0x38: {  	s10 =	sld [smem:$0x3FBA]  }
0x39: {  	_ = 	snop;
	(pc) =	sbr.ind lr, $3  }
0x3a: {  	_ = 	snop  }
0x3b: {  	_ = 	snop  }
0x3c: {  	p2 =	seq.s32 s10, $0x1;
	s10 =	sld [smem:$0x3FB9]  }
0x3d: {  	_ =	shalt  }
0x3e: {  	_ =	shalt  }
0x3f: {  	_ =	shalt  }
0x40: {  	_ =	shalt  }
0x41: {  	_ =	shalt  }
0x42: {  	_ =	shalt  }
0x43: {  	_ =	shalt  }
0x44: {  	_ =	shalt  }
0x45: {  	_ =	shalt  }
0x46: {  	_ =	shalt  }
0x47: {  	_ =	shalt  }
0x48: {  	_ =	shalt  }
0x49: {  	_ =	shalt  }
0x4a: {  	_ =	shalt  }
0x4b: {  	_ =	shalt  }
0x4c: {  	_ =	shalt  }
0x4d: {  	_ =	shalt  }
0x4e: {  	_ =	shalt  }
0x4f: {  	_ =	shalt  }
0x50: {  	_ =	shalt  }
0x51: {  	_ =	shalt  }
0x52: {  	_ =	shalt  }
0x53: {  	_ =	shalt  }
0x54: {  	_ =	shalt  }
0x55: {  	_ =	shalt  }
0x56: {  	_ =	shalt  }
0x57: {  	_ =	shalt  }
0x58: {  	_ =	shalt  }
0x59: {  	_ =	shalt  }
0x5a: {  	_ =	shalt  }
0x5b: {  	_ =	shalt  }
0x5c: {  	_ =	shalt  }
0x5d: {  	_ =	shalt  }
0x5e: {  	_ =	shalt  }
0x5f: {  	_ =	shalt  }
0x60: {  	_ =	shalt  }
0x61: {  	_ =	shalt  }
0x62: {  	_ =	shalt  }
0x63: {  	_ =	shalt  }
0x64: {  	_ =	shalt  }
0x65: {  	_ =	shalt  }
0x66: {  	_ =	shalt  }
0x67: {  	_ =	shalt  }
0x68: {  	_ =	shalt  }
0x69: {  	_ =	shalt  }
0x6a: {  	_ =	shalt  }
0x6b: {  	_ =	shalt  }
0x6c: {  	_ =	shalt  }
0x6d: {  	_ =	shalt  }
0x6e: {  	_ =	shalt  }
0x6f: {  	_ =	shalt  }
0x70: {  	_ =	shalt  }
0x71: {  	_ =	shalt  }
0x72: {  	_ =	shalt  }
0x73: {  	_ =	shalt  }
0x74: {  	_ =	shalt  }
0x75: {  	_ =	shalt  }
0x76: {  	_ =	shalt  }
0x77: {  	_ =	shalt  }
0x78: {  	_ =	shalt  }
0x79: {  	_ =	shalt  }
0x7a: {  	_ =	shalt  }
0x7b: {  	_ =	shalt  }
0x7c: {  	_ =	shalt  }
0x7d: {  	_ =	shalt  }
0x7e: {  	_ =	shalt  }
0x7f: {  	_ =	shalt  }
0x80: {  	_ =	shalt  }
0x81: {  	_ =	shalt  }
0x82: {  	_ =	shalt  }
0x83: {  	_ =	shalt  }
0x84: {  	_ =	shalt  }
0x85: {  	_ =	shalt  }
0x86: {  	_ =	shalt  }
0x87: {  	_ =	shalt  }
.Lfunc_end0:
.L_simem_size_0:
called_computation.1_lowered:
.L_overlay_start_0:
0x88: {  	s2 =	sld [smem:$0x3FD9]  }
0x89: {  	s3 =	sld [smem:$0x3FFE];
	_ =	sdelay $0x1  }
0x8a: {  	s1 =	srdreg.scid  }
0x8b: {  	s0 =	sand.u32 $0x1, s1  }
0x8c: {  	s14 =	sshll.u32 s0, $0xA;
	s2 =	sadd.s32 s3, s2  }
0x8d: {  	s2 =	sadd.s32 s2, s14  }
0x8e: {  	[smem:$0x3FC5] =	sst s2  }
0x8f: {  	_ = 	snop  }
0x90: {  	s2 =	sld [smem:$0x3FD0];
	_ =	sdelay $0x2  }
0x91: {  	s15 =	simm.s32 $0xA;
	s4 =	simm.s32 $0x10  }
0x92: {  	[smem:s4], [sflag:s15] =	dma.local [hbm:s2], $0x1  }
0x93: {  	_ =	swait.eq [sflag:s15], $0x1  }
0x94: {  	[sflag:s15] =	ssyncset.done $0x0  }
0x95: {  	[sflag:s15] =	ssyncadd.s32 $0xFFFFFFFF  }
0x96: {  	s16 =	sld [smem:$0x10];
	(tm) =	ssettm $0x1  }
0x97: {  	s17 =	sld [smem:$0x3FFB];
	_ =	sdelay $0x3  }
0x98: {  	_ =	strace s17  }
0x99: {  	s3 =	sld [smem:$0x3FFC];
	_ =	sdelay $0x3  }
0x9a: {  	_ =	strace s3  }
0x9b: {  	s3 =	sld [smem:$0x3FFD];
	_ =	sdelay $0x3  }
0x9c: {  	_ =	strace s3  }
0x9d: {  	_ =	strace $0x8FFFFFFF  }
0x9e: {  	s18 =	sld [smem:$0x3FDB];
	_ =	sdelay $0x1  }
0x9f: {  	s19 =	simm.s32 $_scs_section_size  }
0xa0: {  	s5 =	simm.s32 $_size__tile_overlayer_lowered;
	s6 =	simm.s32 $_tile_overlayer_lowered  }
0xa1: {  	s22 =	simm.s32 $0x1BFF;
	s21 =	sshll.u32 s6, $0x1;
	s3 =	sadd.s32 s19, s18  }
0xa2: {  	s7 =	simm.s32 $0x0;
	s20 =	sshll.u32 s5, $0x1;
	s5 =	sadd.s32 s21, s3  }
0xa3: {  	[timem:s7], [sflag:s22] =	dma.local [hbm:s5], s20  }
0xa4: {  	_ =	swait.ge [sflag:s22], s20  }
0xa5: {  	s4 =	ssub.s32 $0x0, s20;
	[sflag:s22] =	ssyncset.done $0x0  }
0xa6: {  	[sflag:s22] =	ssyncadd.s32 s4;
	_ =	sdelay $0x1  }
0xa7: {  	s23 =	simm.s32 $0x1B8B  }
0xa8: {  	_ =	swait.ge [sflag:s23], $0x1  }
0xa9: {  	[sflag:s23] =	ssyncset.done $0x0  }
0xaa: {  	s25 =	simm.s32 $0x1B8E;
	s24 =	sld [smem:$0x3FFE];
	[sflag:s23] =	ssyncadd.s32 $0xFFFFFFFF  }
0xab: {  	s26 =	simm.s32 $execute0_lowered;
	[smem:$0x3FD2] =	sst s25  }
0xac: {  	s5 =	sshll.u32 s26, $0x1;
	_ =	strace $0x80000046;
	[dreg:$0x1] =	wrdreg $0xFFFFFFFF  }
0xad: {  	s28 =	simm.s32 $_size_execute0_lowered;
	s3 =	sadd.s32 s3, s5;
	[dreg:$0x0] =	wrdreg $0x0  }
0xae: {  	s5 =	sshll.u32 s28, $0x1;
	[dreg:$0x2] =	wrdreg s3  }
0xaf: {  	[dreg:$0x3] =	wrdreg s5  }
0xb0: {  	[dreg:$0x4] =	wrdreg $0xC0  }
0xb1: {  	_ =	task [dreg:s7], $0x5FFFF  }
0xb2: {  	[dreg:$0x1] =	wrdreg $0xFFFFFFFF  }
0xb3: {  	[dreg:$0x0] =	wrdreg $0x60  }
0xb4: {  	[dreg:$0x2] =	wrdreg s16  }
0xb5: {  	[dreg:$0x3] =	wrdreg s24  }
0xb6: {  	[dreg:$0x4] =	wrdreg $0x9  }
0xb7: {  	_ =	task.clear_ibuf [dreg:s7], $0x5FFFF;
	_ =	strace $0x90000046  }
0xb8: {  	s29 =	simm.s32 $0x9;
	_ =	strace $0x80000048  }
0xb9: {  	_ =	swait.ge [sflag:s29], $0x1  }
0xba: {  	[sflag:s29] =	ssyncadd.s32 $0xFFFFFFFF  }
0xbb: {  	_ =	strace $0x90000048  }
0xbc: {  	_ =	sfence  }
0xbd: {  	s30 =	sld [smem:$0x0];
	_ =	sdelay $0x2  }
0xbe: {  	s31 =	sshll.u32 s1, $0xD;
	s1 =	sshrl.u32 s1, $0x2  }
0xbf: {  	s3 =	sand.u32 $0x4000, s31;
	s1 =	sadd.s32 s1, s30  }
0xc0: {  	s0 =	sor.u32 s3, s0;
	s1 =	sshll.u32 s1, $0x11  }
0xc1: {  	s0 =	sor.u32 s1, s0  }
0xc2: {  	s0 =	sadd.s32 $0x8F2B, s0  }
0xc3: {  	[sflag:s0] =	ssyncadd.remote.s32 $0x1  }
0xc4: {  	_ =	sfence.sel $0xFFFF  }
0xc5: {  	[dreg:$0x0] =	wrdreg $0xFFFFFFFF;
	(pc) =	sbr.abs _section_cstart, $3  }
0xc6: {  	[dreg:$0x1] =	wrdreg $0xFFFFFFFF  }
0xc7: {  	_ =	task.clear_ibuf [dreg:s7], $0x2FFFF;
	_ =	strace $0x9FFFFFFF  }
0xc8: {  	(tm) =	ssettm $0x7FFFFFFF  }
0xc9: {  	_ =	shalt  }
tec
execute0_lowered:
.L_overlay_start_1:
0x0: {  	(tag) =	ssettag $0x1  }
0x1: {  	s3 =	rddreg [dreg:$0x0];
	s1 =	srdreg.scid  }
0x2: {  	s0 =	stileid.u32;
	s7 =	rddreg [dreg:$0x1];
	s2 =	simm.s32 $0x0  }
0x3: {  	s5 =	sand.u32 $0x1, s1;
	s4 =	sshll.u32 s0, $0x1;
	s1 =	rddreg [dreg:$0x2]  }
0x4: {  	[smem:$0x7FF] =	sst s2;
	s6 =	sor.u32 s5, s4  }
0x5: {  	_ =	strace $0x80000047;
	s8 =	ssub.s32 $0x2, s5;
	s4 =	sshll.u32 s6, $0xB  }
0x6: {  	s6 =	sshll.u32 s6, $0x4;
	s3 =	sadd.s32 s3, s4;
	s4 =	simm.s32 $0x2  }
0x7: {  	[tilespmem:s2], [sflag:$0x2] =	stream.linear.gather [hbm4b:s3+s2], $0x4000, $0x38;
	[tilespmem:$0x4080] =	vst v63  }
0x8: {  	s9 =	sshrl.u32 s8, $0x1;
	s31 =	sadd.s32 s6, s7;
	_ =	swait.ge [sflag:s4], $0x4000  }
0x9: {  	s6 =	simm.s32 $0x4000;
	s8 =	ssub.s32 s8, s9;
	[sflag:s4] =	ssyncset.done $0x0  }
0xa: {  	s5 =	sadd.s32 $0xC00, s31;
	s10 =	smax.u32 s8, $0x1;
	[sflag:s4] =	ssyncadd.s32 $0xFFFFC000  }
0xb: {  	[tilespmem:s6], [sflag:$0x2] =	stream.linear.gather [hbm4b:s5+s2], $0x80, $0x38;
	[tilespmem:$0x4080] =	vst v63  }
0xc: {  	p0 =	sne.s32 s10, $0x1;
	_ =	swait.ge [sflag:s4], $0x80  }
.Ltmp0:
0xd: {  	s7 =	sadd.s32 $0xE00, s7;
	[sflag:s4] =	ssyncset.done $0x0;
	(pc) =	sbr.rel @!p0 .LBB2_2-.Ltmp0, $4  }
0xe: {  	s9 =	simm.s32 $0x80;
	s8 =	simm.s32 $0x1;
	[sflag:s4] =	ssyncadd.s32 $0xFFFFFF80  }
0xf: {  	[hbm4b:s7+s9] =	stream.indirect.scatter [tilespmem:s2], [sflag:$0x1], $0x80, s6, s9, $0xb8;
	[tilespmem:$0x4080] =	vst v63  }
0x10: {  	_ =	swait.ge [sflag:s8], $0x4000  }
0x11: {  	s10 =	sadd.s32 $0xFFFFFFFF, s10;
	[sflag:s8] =	ssyncset.done $0x0  }
.LBB2_1:
0x12: {  	p0 =	sne.s32 s10, $0x1;
	s10 =	sadd.s32 $0xFFFFFFFF, s10;
	[sflag:s8] =	ssyncadd.s32 $0xFFFFC000  }
0x13: {  	[tilespmem:s2], [sflag:$0x2] =	stream.linear.gather [hbm4b:s3+s2], $0x4000, $0x38;
	[tilespmem:$0x4080] =	vst v63  }
0x14: {  	_ =	swait.ge [sflag:s4], $0x4000  }
0x15: {  	[sflag:s4] =	ssyncset.done $0x0  }
0x16: {  	[sflag:s4] =	ssyncadd.s32 $0xFFFFC000  }
0x17: {  	[tilespmem:s6], [sflag:$0x2] =	stream.linear.gather [hbm4b:s5+s2], $0x80, $0x38;
	[tilespmem:$0x4080] =	vst v63  }
0x18: {  	_ =	swait.ge [sflag:s4], $0x80  }
.Ltmp1:
0x19: {  	[sflag:s4] =	ssyncset.done $0x0;
	(pc) =	sbr.rel @p0 .LBB2_1-.Ltmp1, $4  }
0x1a: {  	[sflag:s4] =	ssyncadd.s32 $0xFFFFFF80  }
0x1b: {  	[hbm4b:s7+s9] =	stream.indirect.scatter [tilespmem:s2], [sflag:$0x1], $0x80, s6, s9, $0xb8;
	[tilespmem:$0x4080] =	vst v63  }
0x1c: {  	_ =	swait.ge [sflag:s8], $0x4000  }
0x1d: {  	[sflag:s8] =	ssyncset.done $0x0  }
.LBB2_2:
0x1e: {  	[sflag:s8] =	ssyncadd.s32 $0xFFFFC000  }
0x1f: {  	_ =	sfence.sel $0x180000  }
0x20: {  	[bflag:$0x0] =	sbarrier.arrive $0xFFFF  }
0x21: {  	p0 =	sne.s32 s0, $0x0;
	_ =	strace $0x90000047  }
0x22: {  	s0 =	sadd.s32 @!p0 $0x100000, s1;
	[bflag:$0x2] =	sbarrier.arrive $0xFFFF  }
0x23: {  	[sflag:s0] =	ssyncadd.tile.s32 @!p0 $0x1;
	_ =	shalt  }
.Lfunc_end2:
_tile_overlayer_lowered:
.L_overlay_start_2:
0x24: {  	(tag) =	ssettag $0x2  }
0x25: {  	s0 =	rddreg [dreg:$0x0];
	s2 =	stileid.u32  }
0x26: {  	s1 =	rddreg [dreg:$0x1];
	p0 =	sne.s32 s2, $0x0  }
0x27: {  	s3 =	rddreg [dreg:$0x2];
	[bflag:$0x3] =	sbarrier.arrive $0xFFFF;
	s2 =	simm.s32 @!p0 $0x1C02  }
0x28: {  	[timem:s3], [sflag:s2] =	dma.local @!p0 [hbm:s0], s1  }
0x29: {  	s0 =	simm.s32 @!p0 $0x2  }
0x2a: {  	_ =	swait.ge @!p0 [sflag:s0], s1  }
0x2b: {  	s1 =	ssub.s32 @!p0 $0x0, s1;
	[sflag:s0] =	ssyncset.done @!p0 $0x0  }
0x2c: {  	[sflag:s0] =	ssyncadd.s32 @!p0 s1  }
0x2d: {  	[bflag:$0x3] =	sbarrier.arrive $0xFFFF  }
0x2e: {  	_ =	shalt  }

// kernel: sparse-core-data-format-call.cloned.1.call-start
scs
called_computation_lowered:
.L_overlay_start_0:
0x0: {  	s2 =	sld [smem:$0x3FD9]  }
0x1: {  	s3 =	sld [smem:$0x3FFE];
	_ =	sdelay $0x1  }
0x2: {  	s1 =	srdreg.scid  }
0x3: {  	s0 =	sand.u32 $0x1, s1  }
0x4: {  	s15 =	sshll.u32 s0, $0xA;
	s2 =	sadd.s32 s3, s2  }
0x5: {  	s2 =	sadd.s32 s2, s15  }
0x6: {  	[smem:$0x3FC5] =	sst s2  }
0x7: {  	_ = 	snop  }
0x8: {  	s2 =	sld [smem:$0x3FD0];
	_ =	sdelay $0x2  }
0x9: {  	s16 =	simm.s32 $0xA;
	s4 =	simm.s32 $0x10  }
0xa: {  	[smem:s4], [sflag:s16] =	dma.local [hbm:s2], $0x1  }
0xb: {  	_ =	swait.eq [sflag:s16], $0x1  }
0xc: {  	[sflag:s16] =	ssyncset.done $0x0  }
0xd: {  	[sflag:s16] =	ssyncadd.s32 $0xFFFFFFFF  }
0xe: {  	s17 =	sld [smem:$0x10];
	(tm) =	ssettm $0x1  }
0xf: {  	s18 =	sld [smem:$0x3FFB];
	_ =	sdelay $0x3  }
0x10: {  	_ =	strace s18  }
0x11: {  	s3 =	sld [smem:$0x3FFC];
	_ =	sdelay $0x3  }
0x12: {  	_ =	strace s3  }
0x13: {  	s3 =	sld [smem:$0x3FFD];
	_ =	sdelay $0x3  }
0x14: {  	_ =	strace s3  }
0x15: {  	_ =	strace $0x8FFFFFFF  }
0x16: {  	s19 =	sld [smem:$0x3FDB];
	_ =	sdelay $0x1  }
0x17: {  	s20 =	simm.s32 $_scs_section_size  }
0x18: {  	s5 =	simm.s32 $_size__tile_overlayer_lowered;
	s6 =	simm.s32 $_tile_overlayer_lowered  }
0x19: {  	s23 =	simm.s32 $0x1BFF;
	s22 =	sshll.u32 s6, $0x1;
	s3 =	sadd.s32 s20, s19  }
0x1a: {  	s7 =	simm.s32 $0x0;
	s21 =	sshll.u32 s5, $0x1;
	s5 =	sadd.s32 s22, s3  }
0x1b: {  	[timem:s7], [sflag:s23] =	dma.local [hbm:s5], s21  }
0x1c: {  	_ =	swait.ge [sflag:s23], s21  }
0x1d: {  	s4 =	ssub.s32 $0x0, s21;
	[sflag:s23] =	ssyncset.done $0x0  }
0x1e: {  	[sflag:s23] =	ssyncadd.s32 s4;
	_ =	sdelay $0x1  }
0x1f: {  	s24 =	simm.s32 $0x1B8B  }
0x20: {  	_ =	swait.ge [sflag:s24], $0x1  }
0x21: {  	[sflag:s24] =	ssyncset.done $0x0  }
0x22: {  	s26 =	simm.s32 $0x1B8E;
	s25 =	sld [smem:$0x3FFE];
	[sflag:s24] =	ssyncadd.s32 $0xFFFFFFFF  }
0x23: {  	s27 =	simm.s32 $execute0_lowered;
	[smem:$0x3FD2] =	sst s26  }
0x24: {  	s5 =	sshll.u32 s27, $0x1;
	_ =	strace $0x80000049;
	[dreg:$0x1] =	wrdreg $0xFFFFFFFF  }
0x25: {  	s28 =	simm.s32 $_size_execute0_lowered;
	s3 =	sadd.s32 s3, s5;
	[dreg:$0x0] =	wrdreg $0x0  }
0x26: {  	s5 =	sshll.u32 s28, $0x1;
	[dreg:$0x2] =	wrdreg s3  }
0x27: {  	[dreg:$0x3] =	wrdreg s5  }
0x28: {  	[dreg:$0x4] =	wrdreg $0xC0  }
0x29: {  	_ =	task [dreg:s7], $0x5FFFF  }
0x2a: {  	[dreg:$0x1] =	wrdreg $0xFFFFFFFF  }
0x2b: {  	[dreg:$0x0] =	wrdreg $0x60  }
0x2c: {  	[dreg:$0x2] =	wrdreg s25  }
0x2d: {  	[dreg:$0x3] =	wrdreg s17  }
0x2e: {  	[dreg:$0x4] =	wrdreg $0x9  }
0x2f: {  	_ =	task.clear_ibuf [dreg:s7], $0x5FFFF;
	_ =	strace $0x90000049  }
0x30: {  	s29 =	simm.s32 $0x9;
	_ =	strace $0x8000004B  }
0x31: {  	_ =	swait.ge [sflag:s29], $0x1  }
0x32: {  	[sflag:s29] =	ssyncadd.s32 $0xFFFFFFFF  }
0x33: {  	_ =	strace $0x9000004B  }
0x34: {  	_ =	sfence  }
0x35: {  	s30 =	sld [smem:$0x0];
	_ =	sdelay $0x2  }
0x36: {  	s31 =	sshll.u32 s1, $0xD;
	s1 =	sshrl.u32 s1, $0x2  }
0x37: {  	s3 =	sand.u32 $0x4000, s31;
	s1 =	sadd.s32 s1, s30  }
0x38: {  	s0 =	sor.u32 s3, s0;
	s1 =	sshll.u32 s1, $0x11  }
0x39: {  	s0 =	sor.u32 s1, s0  }
0x3a: {  	s0 =	sadd.s32 $0x8F2B, s0  }
0x3b: {  	[sflag:s0] =	ssyncadd.remote.s32 $0x1  }
0x3c: {  	_ =	sfence.sel $0xFFFF  }
0x3d: {  	[dreg:$0x0] =	wrdreg $0xFFFFFFFF;
	(pc) =	sbr.abs _section_cstart, $3  }
0x3e: {  	[dreg:$0x1] =	wrdreg $0xFFFFFFFF  }
0x3f: {  	_ =	task.clear_ibuf [dreg:s7], $0x2FFFF;
	_ =	strace $0x9FFFFFFF  }
0x40: {  	(tm) =	ssettm $0x7FFFFFFF  }
0x41: {  	_ =	shalt  }
tec
execute0_lowered:
.L_overlay_start_1:
0x0: {  	(tag) =	ssettag $0x1  }
0x1: {  	s4 =	rddreg [dreg:$0x0]  }
0x2: {  	s0 =	srdreg.scid;
	s2 =	rddreg [dreg:$0x1]  }
0x3: {  	s1 =	stileid.u32;
	s5 =	simm.s32 $0x1;
	s0 =	sshll.u32 s0, $0x4  }
0x4: {  	s7 =	simm.s32 $0x2;
	s11 =	simm.s32 $0x0;
	s3 =	sand.u32 $0x10, s0  }
.Ltmp0:
0x5: {  	p0 =	por $0x0, $0x0;
	s3 =	sor.u32 s1, s3;
	(pc) =	sbr.rel .LBB1_1-.Ltmp0, $4  }
0x6: {  	s8 =	simm.s32 $0x7A1400;
	s10 =	simm.s32 $0x0;
	s3 =	sshll.u32 s3, $0x7  }
0x7: {  	s0 =	rddreg [dreg:$0x2];
	_ =	strace $0x8000004A;
	s6 =	ssub.s32 $0xF4200, s3  }
0x8: {  	s4 =	sadd.s32 $0x3D1800, s4;
	[sflag:s5] =	ssyncpa.u1 $0x0;
	s6 =	sshrl.u32 s6, $0xC  }
0x9: {  	[sflag:s7] =	ssyncpa.u1 $0x0;
	s9 =	smov.u32 s3;
	s7 =	sadd.s32 $0x2, s6  }
.LBB1_5:
0xa: {  	s13 =	sadd.s32 $0x1000, s9  }
0xb: {  	p2 =	sgt.s32 s13, $0xF423F  }
0xc: {  	s13 =	smov.u32 @p2 s3;
	p2 =	sne.s32 s10, s7  }
.Ltmp1:
0xd: {  	p1 =	slt.u32 s10, $0x2;
	(pc) =	sbr.rel @!p2 .LBB1_6-.Ltmp1, $4  }
0xe: {  	s12 =	simm.s32 @!p1 $0x2  }
0xf: {  	s14 =	sadd.s32 $0x1, s10;
	_ =	swait.ge @!p1 [sflag:s12], $0x1000  }
0x10: {  	s11 =	smov.u32 s9;
	p0 =	por !p0, !p0;
	[sflag:s12] =	ssyncset.done @!p1 $0x0  }
0x11: {  	s10 =	smov.u32 s14;
	s9 =	smov.u32 s13;
	[sflag:s12] =	ssyncadd.s32 @!p1 $0xFFFFF000  }
.LBB1_1:
0x12: {  	p1 =	sgt.u32 s10, s6  }
0x13: {  	s13 =	smov.u32 s9;
	p2 =	sgt.s32 @!p1 s9, $0xF41C0  }
0x14: {  	s12 =	sand.u32 @!p1 $0x1FFFFFF, s9;
	s14 =	sshra.s32 @!p1 s9, $0x1F;
	p2 =	por !p2, p1  }
0x15: {  	s15 =	smulhi.u32 @!p1 $0x218DEF5, s12;
	s14 =	sand.u32 @!p1 s14, s9;
	s13 =	simm.s32 @p2 $0xF41C0  }
0x16: {  	s13 =	ssub.s32 @!p1 s13, s14  }
0x17: {  	s14 =	sshrl.u32 @!p1 s15, $0xD;
	s13 =	sadd.s32 @!p1 $0xFFF0BE40, s13  }
0x18: {  	s15 =	sxor.u32 @!p1 $0xFFFFFFFF, s10;
	s14 =	smul.u32 @!p1 $0xF4240, s14;
	s16 =	sshll.u32 @!p1 s13, $0x7  }
0x19: {  	s15 =	sshll.u32 @!p1 s15, $0xC;
	p2 =	sgt.s32 @!p1 s13, $0x7F;
	s13 =	ssub.s32 @!p1 $0x4000, s16  }
0x1a: {  	s12 =	ssub.s32 @!p1 s12, s14;
	p2 =	por !p2, p1;
	s14 =	sand.u32 @!p1 $0x1000, s15  }
0x1b: {  	s15 =	simm.s32 @!p1 $0x20;
	s13 =	sshrl.u32 @!p1 s13, $0x2;
	s12 =	sshll.u32 @!p1 s12, $0x4  }
0x1c: {  	s16 =	simm.s32 @!p1 $0x80;
	s13 =	simm.s32 @!p2 $0x0;
	s12 =	sadd.s32 @!p1 s4, s12  }
0x1d: {  	[tilespmem:s14], [sflag:$0x1] =	stream.strided.gather @!p1 [hbm4b:s12+s15], s13, s16, s15, $0x38;
	[tilespmem:$0x4040] =	vst v63  }
0x1e: {  	p1 =	seq.s32 s10, $0x0  }
0x1f: {  	p2 =	sge.u32 @!p1 s10, s7  }
0x20: {  	p1 =	por p1, p2  }
.Ltmp2:
0x21: {  	_ = 	snop;
	(pc) =	sbr.rel @p1 .LBB1_5-.Ltmp2, $1  }
0x22: {  	_ =	sdelay $0x3  }
0x23: {  	p1 =	sgt.s32 s11, $0xF41C0;
	s12 =	smov.u32 s11;
	s13 =	sshra.s32 s11, $0x1F  }
0x24: {  	s12 =	simm.s32 @!p1 $0xF41C0;
	s13 =	sand.u32 s13, s11  }
0x25: {  	s12 =	ssub.s32 s12, s13  }
0x26: {  	s12 =	sadd.s32 $0xFFF0BE40, s12  }
0x27: {  	s28 =	sshll.u32 s12, $0x7  }
0x28: {  	s13 =	ssub.s32 $0x4000, s28  }
0x29: {  	p1 =	sgt.s32 s12, $0x7F;
	s12 =	sshrl.u32 s13, $0x2  }
0x2a: {  	s13 =	simm.s32 $0x1;
	s12 =	simm.s32 @p1 $0x0  }
0x2b: {  	s13 =	simm.s32 @!p0 $0x0;
	_ =	swait.ge [sflag:s5], s12  }
0x2c: {  	s14 =	sshll.u32 s13, $0xC;
	s12 =	ssub.s32 $0x0, s12;
	[sflag:s5] =	ssyncset.done $0x0  }
0x2d: {  	s16 =	sor.u32 $0x10, s14;
	[sflag:s5] =	ssyncadd.s32 s12  }
0x2e: {  	s29 =	smul.u32 $0x4080, s13;
	v1 =	vld [tilespmem:s16+$0x0]  }
0x2f: {  	s30 =	sand.u32 $0x1, s10;
	v0 =	vld [tilespmem:s16+$0xFFFFFFF0]  }
0x30: {  	s13 =	smul.u32 $0x4080, s30;
	s12 =	sshrl.u32 s29, $0x2  }
0x31: {  	s14 =	sor.u32 $0x2000, s12  }
0x32: {  	s31 =	sshrl.u32 s13, $0x2;
	s13 =	sadd.s32 $0x0, s14  }
0x33: {  	s15 =	simm.s32 $0x4;
	s12 =	sor.u32 $0x2000, s31;
	s16 =	sadd.s32 $0x20, s16;
	[tilespmem:s13+$0x810 ss:$0x81] =	vst.msk $0xffff, v1  }
.LBB1_3:
0x34: {  	v1 =	vld [tilespmem:s16+$0x0];
	p1 =	sne.s32 s15, $0x1FC;
	[tilespmem:s13+$0x0 ss:$0x81] =	vst.msk $0xffff, v0;
	s13 =	smov.u32 s15;
	s15 =	sadd.s32 $0x4, s15  }
.Ltmp3:
0x35: {  	v0 =	vld [tilespmem:s16+$0xFFFFFFF0];
	(pc) =	sbr.rel @p1 .LBB1_3-.Ltmp3, $4  }
0x36: {  	_ = 	snop  }
0x37: {  	s13 =	sshra.s32 s13, $0x2  }
0x38: {  	s13 =	sadd.s32 s13, s14  }
0x39: {  	s16 =	sadd.s32 $0x20, s16;
	[tilespmem:s13+$0x810 ss:$0x81] =	vst.msk $0xffff, v1  }
0x3a: {  	s14 =	sshll.u32 s11, $0x3  }
0x3b: {  	s30 =	sand.u32 $0x7F, s11;
	s14 =	sand.u32 $0xFFFFFC00, s14  }
0x3c: {  	s11 =	sor.u32 s30, s14  }
0x3d: {  	s15 =	smulhi.u32 $0x218D6287, s11;
	_ =	sdelay $0x1  }
0x3e: {  	s14 =	smulhi.u32 $0x218D6287, s14;
	s15 =	sshrl.u32 s15, $0x11  }
0x3f: {  	s15 =	smul.u32 $0xF4280, s15  }
0x40: {  	s14 =	sshrl.u32 s14, $0x11  }
.Ltmp4:
0x41: {  	s14 =	sand.u32 $0x1F, s14;
	s11 =	ssub.s32 s11, s15;
	(pc) =	sbr.rel .LBB1_5-.Ltmp4, $4  }
0x42: {  	s14 =	smul.u32 $0x1E850, s14;
	s15 =	sshrl.u32 s11, $0x3;
	s11 =	sand.u32 $0x7, s11  }
0x43: {  	s15 =	sadd.s32 s2, s15;
	s11 =	sshll.u32 s11, $0x12  }
0x44: {  	[tilespmem:s13+$0x0 ss:$0x81] =	vst.msk $0xffff, v0;
	s31 =	sadd.s32 s14, s15;
	s11 =	sor.u32 $0x400, s11  }
0x45: {  	[hbm4b:s31+s11] =	stream.strided.scatter [tilespmem:s12], [sflag:$0x2], $0x1000, s8, s11, $0x20;
	[tilespmem:$0x4040] =	vst v63  }
.LBB1_6:
0x46: {  	_ =	sfence.sel $0x180000  }
0x47: {  	s2 =	simm.s32 $0x1;
	[bflag:$0x0] =	sbarrier.arrive $0xFFFF  }
0x48: {  	s31 =	simm.s32 $0x2;
	[sflag:s2] =	ssyncpa.u1 $0x1  }
0x49: {  	[sflag:s31] =	ssyncpa.u1 $0x1  }
0x4a: {  	p0 =	sne.s32 s1, $0x0;
	_ =	strace $0x9000004A  }
0x4b: {  	s0 =	sadd.s32 @!p0 $0x100000, s0;
	[bflag:$0x2] =	sbarrier.arrive $0xFFFF  }
0x4c: {  	[sflag:s0] =	ssyncadd.tile.s32 @!p0 $0x1;
	_ =	shalt  }
.Lfunc_end1:
_tile_overlayer_lowered:
.L_overlay_start_2:
0x4d: {  	(tag) =	ssettag $0x2  }
0x4e: {  	s0 =	rddreg [dreg:$0x0];
	s2 =	stileid.u32  }
0x4f: {  	s1 =	rddreg [dreg:$0x1];
	p0 =	sne.s32 s2, $0x0  }
0x50: {  	s3 =	rddreg [dreg:$0x2];
	[bflag:$0x3] =	sbarrier.arrive $0xFFFF;
	s2 =	simm.s32 @!p0 $0x1C01  }
0x51: {  	[timem:s3], [sflag:s2] =	dma.local @!p0 [hbm:s0], s1  }
0x52: {  	s0 =	simm.s32 @!p0 $0x1  }
0x53: {  	_ =	swait.ge @!p0 [sflag:s0], s1  }
0x54: {  	s1 =	ssub.s32 @!p0 $0x0, s1;
	[sflag:s0] =	ssyncset.done @!p0 $0x0  }
0x55: {  	[sflag:s0] =	ssyncadd.s32 @!p0 s1  }
0x56: {  	[bflag:$0x3] =	sbarrier.arrive $0xFFFF  }
0x57: {  	_ =	shalt  }

</sc_bundles>
